<compile_context>
chip_gen: v7x
topology: tpu7x:2x2x1
jax: 0.10.2.dev20260603
libtpu: 0.0.44.dev20260713+nightly
codegen_flags: <defaults>
</compile_context>

<pallas_src>
import functools

import jax
import jax.numpy as jnp
from jax.experimental import pallas as pl
from jax.experimental.pallas import tpu as pltpu
from jax.experimental.pallas import tpu_sc as plsc


_M = 16
_N = 16


def _kd_attn_kernel(q_ref, k_ref, v_ref, o_ref):
    qT = q_ref[0]
    kT = k_ref[0]
    vT = v_ref[0]
    d, S = qT.shape
    p = S // _M

    def group_mean(xT, n):
        acc = xT[:, 0:p]
        for g in range(1, n):
            acc = acc + xT[:, g * p:(g + 1) * p]
        return acc * (1.0 / n)

    q_repT = group_mean(qT, _M)
    k_repT = group_mean(kT, _N)
    v_repT = group_mean(vT, _N)
    scale = d ** -0.5
    wT = jax.lax.dot_general(
        k_repT, q_repT, (((0,), (0,)), ((), ())),
        preferred_element_type=jnp.float32) * scale
    w_max = jnp.max(wT, axis=0, keepdims=True)
    e = jnp.exp(wT - w_max)
    softT = e / jnp.sum(e, axis=0, keepdims=True)
    out_repT = jax.lax.dot_general(
        v_repT, softT, (((1,), (0,)), ((), ())),
        preferred_element_type=jnp.float32)
    for tc in range(4):
        o_ref[0, :, tc] = out_repT[:, tc * 128:(tc + 1) * 128].reshape(8, 8, 128)


def _sc_broadcast(rep_hbm, out_hbm, stage):
    c = jax.lax.axis_index("c")
    s = jax.lax.axis_index("s")
    wid = s * 2 + c
    pltpu.sync_copy(rep_hbm.at[wid], stage)

    def body(i, carry):
        tr = i // _M
        g = i - tr * _M
        pltpu.sync_copy(stage.at[tr], out_hbm.at[wid * 128 + tr * _M + g])
        return carry

    jax.lax.fori_loop(0, 8 * _M, body, 0)


def kernel(query, key, value, n_query_groups, n_key_groups):
    del n_query_groups, n_key_groups
    B, H, S, d = query.shape
    BH = B * H
    qT = jnp.swapaxes(query, 2, 3).reshape(BH, d, S)
    kT = jnp.swapaxes(key, 2, 3).reshape(BH, d, S)
    vT = jnp.swapaxes(value, 2, 3).reshape(BH, d, S)
    in_spec = pl.BlockSpec((1, d, S), lambda i: (i, 0, 0))
    rep_tiles = pl.pallas_call(
        _kd_attn_kernel,
        grid=(BH,),
        in_specs=[in_spec, in_spec, in_spec],
        out_specs=pl.BlockSpec((1, 8, 4, 8, 128), lambda i: (i, 0, 0, 0, 0)),
        out_shape=jax.ShapeDtypeStruct((BH, 8, 4, 8, 128), jnp.float32),
    )(qT, kT, vT)

    mesh = plsc.VectorSubcoreMesh(core_axis_name="c", subcore_axis_name="s")
    sc_call = functools.partial(
        pl.kernel,
        mesh=mesh,
        out_type=jax.ShapeDtypeStruct((BH * 128, 4, 8, 128), jnp.float32),
        scratch_types=[pltpu.VMEM((8, 4, 8, 128), jnp.float32)],
    )(_sc_broadcast)
    o6 = sc_call(rep_tiles)

    o7 = o6.reshape(B, H, 8, _M, 4, 8, 128)
    out = o7.transpose(0, 1, 3, 4, 6, 2, 5).reshape(B, H, S, d)
    return out

# --- scband reference (transcript-rebuilt; emitter-appended) ---
"""Pipeline reference for scband-kronecker-decomp-attention-45457933861377 (READ-ONLY COPY).

The authoritative reference and input builder live on the scoring server;
editing this copy changes nothing except your own understanding.
"""

import jax, jax.numpy as jnp
import numpy as np


def setup_inputs(seed: int = 0) -> dict:
    key = jax.random.key(seed)
    kq, kk, kv = jax.random.split(key, 3)
    B, H, S, d = 2, 16, 8192, 64
    query = jax.random.normal(kq, (B, H, S, d), dtype=jnp.float32)
    key_t = jax.random.normal(kk, (B, H, S, d), dtype=jnp.float32)
    value = jax.random.normal(kv, (B, H, S, d), dtype=jnp.float32)
    return {"query": query, "key": key_t, "value": value,
            "n_query_groups": 16, "n_key_groups": 16}


def reference(query, key, value, n_query_groups, n_key_groups):
    # KroneckerDecompAttention.forward_no_causal_mask, representative (p0) branch.
    # A_{mp x nq} ~ softmax(S_{m x n} (x) B_{p x q}); here the group-representative
    # attention (B computed from group means) is evaluated and broadcast back to all
    # query groups, matching the torch module's p0 return path.
    B, H, Sq, d = query.shape
    Sk = key.shape[2]
    m = 16
    n = 16
    p = Sq // m
    q = Sk // n
    scale = d ** (-0.5) + 0.0 * ((n_query_groups - m) + (n_key_groups - n))
    # estimateKroneckerDecomps (mode='mean')
    q_gps = query.reshape(B, H, m, p, d)
    k_gps = key.reshape(B, H, n, q, d)
    q_rep = q_gps.mean(axis=2, keepdims=True)  # [B,H,1,p,d]
    k_rep = k_gps.mean(axis=2, keepdims=True)  # [B,H,1,q,d]
    # computeCorrMatrix + matrixSoftmax
    w_rep = jnp.einsum('bhgpd,bhgqd->bhgpq', q_rep, k_rep) * scale  # [B,H,1,p,q]
    soft_w_rep = jax.nn.softmax(w_rep, axis=-1)
    # value.chunk(n, dim=-2) then cat(dim=-1) then unsqueeze(2) -> [B,H,1,q,n*d]
    v_gps_cat = jnp.concatenate([value[:, :, i * q:(i + 1) * q, :] for i in range(n)], axis=-1)
    v_gps_cat = v_gps_cat[:, :, None, :, :]
    attn_p0 = jnp.einsum('bhgpq,bhgqe->bhgpe', soft_w_rep, v_gps_cat)  # [B,H,1,p,n*d]
    attn_p0 = attn_p0.reshape(B, H, 1, p, n, d).mean(axis=-2)  # [B,H,1,p,d]
    # expand to all query groups and flatten back to the full sequence
    out = jnp.broadcast_to(attn_p0, (B, H, m, p, d)).reshape(B, H, Sq, d)
    return out

if __name__ == "__main__":
    import jax
    _d = setup_inputs()
    print(jax.jit(kernel)(*tuple(_d.values())))

</pallas_src>

<mosaic_0001>
#map = affine_map<(d0, d1) -> (0, 0, 0, 0, 0)>
#map1 = affine_map<(d0, d1) -> (0, 0, 0, 0)>
module attributes {stable_mosaic.version = 14 : i64} {
  func.func @_sc_broadcast(%arg0: i32, %arg1: i32, %arg2: memref<32x8x4x8x128xf32, #tpu.memory_space<hbm>>, %arg3: memref<4096x4x8x128xf32, #tpu.memory_space<hbm>>, %arg4: memref<8x4x8x128xf32, #tpu.memory_space<vmem>>) attributes {dimension_semantics = [#tpu.dimension_semantics<core_parallel>, #tpu.dimension_semantics<subcore_parallel>], iteration_bounds = array<i64: 2, 16>, scalar_prefetch = 0 : i64, scratch_operands = 1 : i64, tpu.core_type = #tpu.core_type<sc_vector_subcore>, window_params = [{transform_indices = #map}, {transform_indices = #map1}]} {
    %mul3A = arith.constant 2 : i32
    %mul3A_0 = arith.muli %arg1, %mul3A : i32
    %add3A = arith.addi %mul3A_0, %arg0 : i32
    "tpu.region"() ({
      %run_scoped3A = tpu.sem_alloc : memref<!tpu.dma_semaphore, #tpu.memory_space<semaphore_mem>>
      %dma_start3A = arith.constant 0 : i32
      %dma_start3A_6 = arith.constant 0 : i32
      %dma_start3A_7 = arith.constant 0 : i32
      %dma_start3A_8 = arith.constant 0 : i32
      %dma_start3A_9 = tpu.memref_slice %arg2[%add3A, %dma_start3A, %dma_start3A_6, %dma_start3A_7, %dma_start3A_8] : memref<32x8x4x8x128xf32, #tpu.memory_space<hbm>> -> memref<1x8x4x8x128xf32, #tpu.memory_space<hbm>>
      %dma_start3A_10 = tpu.memref_squeeze %dma_start3A_9 : memref<1x8x4x8x128xf32, #tpu.memory_space<hbm>> -> memref<8x4x8x128xf32, #tpu.memory_space<hbm>>
      %dma_start3A_11 = arith.constant 0 : i32
      %dma_start3A_12 = arith.constant 0 : i32
      %dma_start3A_13 = arith.constant 0 : i32
      %dma_start3A_14 = arith.constant 0 : i32
      %dma_start3A_15 = tpu.memref_slice %arg2[%add3A, %dma_start3A_11, %dma_start3A_12, %dma_start3A_13, %dma_start3A_14] : memref<32x8x4x8x128xf32, #tpu.memory_space<hbm>> -> memref<1x8x4x8x128xf32, #tpu.memory_space<hbm>>
      %dma_start3A_16 = tpu.memref_squeeze %dma_start3A_15 : memref<1x8x4x8x128xf32, #tpu.memory_space<hbm>> -> memref<8x4x8x128xf32, #tpu.memory_space<hbm>>
      tpu.enqueue_dma source(%dma_start3A_16 : memref<8x4x8x128xf32, #tpu.memory_space<hbm>>) target(%arg4 : memref<8x4x8x128xf32, #tpu.memory_space<vmem>>) target_semaphore(%run_scoped3A : memref<!tpu.dma_semaphore, #tpu.memory_space<semaphore_mem>>)
      %dma_wait3A = arith.constant 0 : i32
      %dma_wait3A_17 = arith.constant 0 : i32
      %dma_wait3A_18 = arith.constant 0 : i32
      %dma_wait3A_19 = arith.constant 0 : i32
      %dma_wait3A_20 = tpu.memref_slice %arg2[%add3A, %dma_wait3A, %dma_wait3A_17, %dma_wait3A_18, %dma_wait3A_19] : memref<32x8x4x8x128xf32, #tpu.memory_space<hbm>> -> memref<1x8x4x8x128xf32, #tpu.memory_space<hbm>>
      %dma_wait3A_21 = tpu.memref_squeeze %dma_wait3A_20 : memref<1x8x4x8x128xf32, #tpu.memory_space<hbm>> -> memref<8x4x8x128xf32, #tpu.memory_space<hbm>>
      %dma_wait3A_22 = arith.constant 0 : i32
      %dma_wait3A_23 = arith.constant 0 : i32
      %dma_wait3A_24 = arith.constant 0 : i32
      %dma_wait3A_25 = arith.constant 0 : i32
      %dma_wait3A_26 = tpu.memref_slice %arg2[%add3A, %dma_wait3A_22, %dma_wait3A_23, %dma_wait3A_24, %dma_wait3A_25] : memref<32x8x4x8x128xf32, #tpu.memory_space<hbm>> -> memref<1x8x4x8x128xf32, #tpu.memory_space<hbm>>
      %dma_wait3A_27 = tpu.memref_squeeze %dma_wait3A_26 : memref<1x8x4x8x128xf32, #tpu.memory_space<hbm>> -> memref<8x4x8x128xf32, #tpu.memory_space<hbm>>
      tpu.wait_dma2 semaphore(%run_scoped3A : memref<!tpu.dma_semaphore, #tpu.memory_space<semaphore_mem>>) src(%dma_wait3A_27 : memref<8x4x8x128xf32, #tpu.memory_space<hbm>>) dst(%arg4 : memref<8x4x8x128xf32, #tpu.memory_space<vmem>>)
      tpu.yield
    }) : () -> ()
    %scan3A = arith.constant 0 : i32
    %scan3A_1 = arith.constant 0 : i32
    %scan3A_2 = arith.constant 128 : i32
    %scan3A_3 = arith.addi %scan3A_1, %scan3A_2 : i32
    %scan3A_4 = arith.constant 1 : i32
    scf.for %scan3A_6 = %scan3A_1 to %scan3A_3 step %scan3A_4  : i32 {
      %jit3A = arith.constant 16 : i32
      %div3A = arith.divsi %scan3A_6, %jit3A : i32
      %sign3A = arith.constant 0 : i32
      %sign3A_7 = arith.cmpi sgt, %scan3A_6, %sign3A : i32
      %sign3A_8 = arith.extui %sign3A_7 : i1 to i32
      %sign3A_9 = arith.constant 0 : i32
      %sign3A_10 = arith.cmpi slt, %scan3A_6, %sign3A_9 : i32
      %sign3A_11 = arith.extui %sign3A_10 : i1 to i32
      %sign3A_12 = arith.subi %sign3A_8, %sign3A_11 : i32
      %sign3A_13 = arith.constant 0 : i32
      %sign3A_14 = arith.cmpi sgt, %jit3A, %sign3A_13 : i32
      %sign3A_15 = arith.extui %sign3A_14 : i1 to i32
      %sign3A_16 = arith.constant 0 : i32
      %sign3A_17 = arith.cmpi slt, %jit3A, %sign3A_16 : i32
      %sign3A_18 = arith.extui %sign3A_17 : i1 to i32
      %sign3A_19 = arith.subi %sign3A_15, %sign3A_18 : i32
      %ne3A = arith.cmpi ne, %sign3A_12, %sign3A_19 : i32
      %rem3A = arith.remsi %scan3A_6, %jit3A : i32
      %ne3A_20 = arith.constant 0 : i32
      %ne3A_21 = arith.cmpi ne, %rem3A, %ne3A_20 : i32
      %and3A = arith.andi %ne3A, %ne3A_21 : i1
      %sub3A = arith.constant 1 : i32
      %sub3A_22 = arith.subi %div3A, %sub3A : i32
      %select_n3A = arith.select %and3A, %sub3A_22, %div3A : i32
      %mul3A_23 = arith.constant 16 : i32
      %mul3A_24 = arith.muli %select_n3A, %mul3A_23 : i32
      %sub3A_25 = arith.subi %scan3A_6, %mul3A_24 : i32
      %mul3A_26 = arith.constant 128 : i32
      %mul3A_27 = arith.muli %add3A, %mul3A_26 : i32
      %mul3A_28 = arith.constant 16 : i32
      %mul3A_29 = arith.muli %select_n3A, %mul3A_28 : i32
      %add3A_30 = arith.addi %mul3A_27, %mul3A_29 : i32
      %add3A_31 = arith.addi %add3A_30, %sub3A_25 : i32
      "tpu.region"() ({
        %run_scoped3A = tpu.sem_alloc : memref<!tpu.dma_semaphore, #tpu.memory_space<semaphore_mem>>
        %dma_start3A = arith.constant 0 : i32
        %dma_start3A_32 = arith.constant 0 : i32
        %dma_start3A_33 = arith.constant 0 : i32
        %dma_start3A_34 = tpu.memref_slice %arg4[%select_n3A, %dma_start3A, %dma_start3A_32, %dma_start3A_33] : memref<8x4x8x128xf32, #tpu.memory_space<vmem>> -> memref<1x4x8x128xf32, #tpu.memory_space<vmem>>
        %dma_start3A_35 = tpu.memref_squeeze %dma_start3A_34 : memref<1x4x8x128xf32, #tpu.memory_space<vmem>> -> memref<4x8x128xf32, #tpu.memory_space<vmem>>
        %dma_start3A_36 = arith.constant 0 : i32
        %dma_start3A_37 = arith.constant 0 : i32
        %dma_start3A_38 = arith.constant 0 : i32
        %dma_start3A_39 = tpu.memref_slice %arg3[%add3A_31, %dma_start3A_36, %dma_start3A_37, %dma_start3A_38] : memref<4096x4x8x128xf32, #tpu.memory_space<hbm>> -> memref<1x4x8x128xf32, #tpu.memory_space<hbm>>
        %dma_start3A_40 = tpu.memref_squeeze %dma_start3A_39 : memref<1x4x8x128xf32, #tpu.memory_space<hbm>> -> memref<4x8x128xf32, #tpu.memory_space<hbm>>
        %dma_start3A_41 = arith.constant 0 : i32
        %dma_start3A_42 = arith.constant 0 : i32
        %dma_start3A_43 = arith.constant 0 : i32
        %dma_start3A_44 = tpu.memref_slice %arg3[%add3A_31, %dma_start3A_41, %dma_start3A_42, %dma_start3A_43] : memref<4096x4x8x128xf32, #tpu.memory_space<hbm>> -> memref<1x4x8x128xf32, #tpu.memory_space<hbm>>
        %dma_start3A_45 = tpu.memref_squeeze %dma_start3A_44 : memref<1x4x8x128xf32, #tpu.memory_space<hbm>> -> memref<4x8x128xf32, #tpu.memory_space<hbm>>
        %dma_start3A_46 = arith.constant 0 : i32
        %dma_start3A_47 = arith.constant 0 : i32
        %dma_start3A_48 = arith.constant 0 : i32
        %dma_start3A_49 = tpu.memref_slice %arg4[%select_n3A, %dma_start3A_46, %dma_start3A_47, %dma_start3A_48] : memref<8x4x8x128xf32, #tpu.memory_space<vmem>> -> memref<1x4x8x128xf32, #tpu.memory_space<vmem>>
        %dma_start3A_50 = tpu.memref_squeeze %dma_start3A_49 : memref<1x4x8x128xf32, #tpu.memory_space<vmem>> -> memref<4x8x128xf32, #tpu.memory_space<vmem>>
        tpu.enqueue_dma source(%dma_start3A_50 : memref<4x8x128xf32, #tpu.memory_space<vmem>>) target(%dma_start3A_45 : memref<4x8x128xf32, #tpu.memory_space<hbm>>) target_semaphore(%run_scoped3A : memref<!tpu.dma_semaphore, #tpu.memory_space<semaphore_mem>>)
        %dma_wait3A = arith.constant 0 : i32
        %dma_wait3A_51 = arith.constant 0 : i32
        %dma_wait3A_52 = arith.constant 0 : i32
        %dma_wait3A_53 = tpu.memref_slice %arg4[%select_n3A, %dma_wait3A, %dma_wait3A_51, %dma_wait3A_52] : memref<8x4x8x128xf32, #tpu.memory_space<vmem>> -> memref<1x4x8x128xf32, #tpu.memory_space<vmem>>
        %dma_wait3A_54 = tpu.memref_squeeze %dma_wait3A_53 : memref<1x4x8x128xf32, #tpu.memory_space<vmem>> -> memref<4x8x128xf32, #tpu.memory_space<vmem>>
        %dma_wait3A_55 = arith.constant 0 : i32
        %dma_wait3A_56 = arith.constant 0 : i32
        %dma_wait3A_57 = arith.constant 0 : i32
        %dma_wait3A_58 = tpu.memref_slice %arg3[%add3A_31, %dma_wait3A_55, %dma_wait3A_56, %dma_wait3A_57] : memref<4096x4x8x128xf32, #tpu.memory_space<hbm>> -> memref<1x4x8x128xf32, #tpu.memory_space<hbm>>
        %dma_wait3A_59 = tpu.memref_squeeze %dma_wait3A_58 : memref<1x4x8x128xf32, #tpu.memory_space<hbm>> -> memref<4x8x128xf32, #tpu.memory_space<hbm>>
        %dma_wait3A_60 = arith.constant 0 : i32
        %dma_wait3A_61 = arith.constant 0 : i32
        %dma_wait3A_62 = arith.constant 0 : i32
        %dma_wait3A_63 = tpu.memref_slice %arg3[%add3A_31, %dma_wait3A_60, %dma_wait3A_61, %dma_wait3A_62] : memref<4096x4x8x128xf32, #tpu.memory_space<hbm>> -> memref<1x4x8x128xf32, #tpu.memory_space<hbm>>
        %dma_wait3A_64 = tpu.memref_squeeze %dma_wait3A_63 : memref<1x4x8x128xf32, #tpu.memory_space<hbm>> -> memref<4x8x128xf32, #tpu.memory_space<hbm>>
        %dma_wait3A_65 = arith.constant 0 : i32
        %dma_wait3A_66 = arith.constant 0 : i32
        %dma_wait3A_67 = arith.constant 0 : i32
        %dma_wait3A_68 = tpu.memref_slice %arg4[%select_n3A, %dma_wait3A_65, %dma_wait3A_66, %dma_wait3A_67] : memref<8x4x8x128xf32, #tpu.memory_space<vmem>> -> memref<1x4x8x128xf32, #tpu.memory_space<vmem>>
        %dma_wait3A_69 = tpu.memref_squeeze %dma_wait3A_68 : memref<1x4x8x128xf32, #tpu.memory_space<vmem>> -> memref<4x8x128xf32, #tpu.memory_space<vmem>>
        tpu.wait_dma2 semaphore(%run_scoped3A : memref<!tpu.dma_semaphore, #tpu.memory_space<semaphore_mem>>) src(%dma_wait3A_69 : memref<4x8x128xf32, #tpu.memory_space<vmem>>) dst(%dma_wait3A_64 : memref<4x8x128xf32, #tpu.memory_space<hbm>>)
        tpu.yield
      }) : () -> ()
    }
    %scan3A_5 = arith.constant 128 : i32
    return
  }
}

module attributes {stable_mosaic.version = 14 : i64} {
  func.func @_kd_attn_kernel(%arg0: i32, %arg1: memref<1x64x8192xf32, #tpu.memory_space<vmem>>, %arg2: memref<1x64x8192xf32, #tpu.memory_space<vmem>>, %arg3: memref<1x64x8192xf32, #tpu.memory_space<vmem>>, %arg4: memref<1x8x4x8x128xf32, #tpu.memory_space<vmem>>) attributes {dimension_semantics = [#tpu.dimension_semantics<arbitrary>], iteration_bounds = array<i64: 32>, scalar_prefetch = 0 : i64, scratch_operands = 0 : i64, tpu.core_type = #tpu.core_type<tc>, window_params = [{transform_indices = @transform_0, window_bounds = array<i64: 1, 64, 8192>}, {transform_indices = @transform_1, window_bounds = array<i64: 1, 64, 8192>}, {transform_indices = @transform_2, window_bounds = array<i64: 1, 64, 8192>}, {transform_indices = @transform_3, window_bounds = array<i64: 1, 8, 4, 8, 128>}]} {
    %get3A = arith.constant 0 : index
    %get3A_0 = arith.constant 0 : index
    %get3A_1 = arith.constant 0 : index
    %get3A_2 = vector.load %arg1[%get3A, %get3A_0, %get3A_1] : memref<1x64x8192xf32, #tpu.memory_space<vmem>>, vector<1x64x8192xf32>
    %get3A_3 = vector.shape_cast %get3A_2 : vector<1x64x8192xf32> to vector<64x8192xf32>
    %get3A_4 = arith.constant 0 : index
    %get3A_5 = arith.constant 0 : index
    %get3A_6 = arith.constant 0 : index
    %get3A_7 = vector.load %arg2[%get3A_4, %get3A_5, %get3A_6] : memref<1x64x8192xf32, #tpu.memory_space<vmem>>, vector<1x64x8192xf32>
    %get3A_8 = vector.shape_cast %get3A_7 : vector<1x64x8192xf32> to vector<64x8192xf32>
    %get3A_9 = arith.constant 0 : index
    %get3A_10 = arith.constant 0 : index
    %get3A_11 = arith.constant 0 : index
    %get3A_12 = vector.load %arg3[%get3A_9, %get3A_10, %get3A_11] : memref<1x64x8192xf32, #tpu.memory_space<vmem>>, vector<1x64x8192xf32>
    %get3A_13 = vector.shape_cast %get3A_12 : vector<1x64x8192xf32> to vector<64x8192xf32>
    %slice3A = vector.extract_strided_slice %get3A_3 {offsets = [0, 0], sizes = [64, 512], strides = [1, 1]} : vector<64x8192xf32> to vector<64x512xf32>
    %slice3A_14 = vector.extract_strided_slice %get3A_3 {offsets = [0, 512], sizes = [64, 512], strides = [1, 1]} : vector<64x8192xf32> to vector<64x512xf32>
    %add3A = arith.addf %slice3A, %slice3A_14 : vector<64x512xf32>
    %slice3A_15 = vector.extract_strided_slice %get3A_3 {offsets = [0, 1024], sizes = [64, 512], strides = [1, 1]} : vector<64x8192xf32> to vector<64x512xf32>
    %add3A_16 = arith.addf %add3A, %slice3A_15 : vector<64x512xf32>
    %slice3A_17 = vector.extract_strided_slice %get3A_3 {offsets = [0, 1536], sizes = [64, 512], strides = [1, 1]} : vector<64x8192xf32> to vector<64x512xf32>
    %add3A_18 = arith.addf %add3A_16, %slice3A_17 : vector<64x512xf32>
    %slice3A_19 = vector.extract_strided_slice %get3A_3 {offsets = [0, 2048], sizes = [64, 512], strides = [1, 1]} : vector<64x8192xf32> to vector<64x512xf32>
    %add3A_20 = arith.addf %add3A_18, %slice3A_19 : vector<64x512xf32>
    %slice3A_21 = vector.extract_strided_slice %get3A_3 {offsets = [0, 2560], sizes = [64, 512], strides = [1, 1]} : vector<64x8192xf32> to vector<64x512xf32>
    %add3A_22 = arith.addf %add3A_20, %slice3A_21 : vector<64x512xf32>
    %slice3A_23 = vector.extract_strided_slice %get3A_3 {offsets = [0, 3072], sizes = [64, 512], strides = [1, 1]} : vector<64x8192xf32> to vector<64x512xf32>
    %add3A_24 = arith.addf %add3A_22, %slice3A_23 : vector<64x512xf32>
    %slice3A_25 = vector.extract_strided_slice %get3A_3 {offsets = [0, 3584], sizes = [64, 512], strides = [1, 1]} : vector<64x8192xf32> to vector<64x512xf32>
    %add3A_26 = arith.addf %add3A_24, %slice3A_25 : vector<64x512xf32>
    %slice3A_27 = vector.extract_strided_slice %get3A_3 {offsets = [0, 4096], sizes = [64, 512], strides = [1, 1]} : vector<64x8192xf32> to vector<64x512xf32>
    %add3A_28 = arith.addf %add3A_26, %slice3A_27 : vector<64x512xf32>
    %slice3A_29 = vector.extract_strided_slice %get3A_3 {offsets = [0, 4608], sizes = [64, 512], strides = [1, 1]} : vector<64x8192xf32> to vector<64x512xf32>
    %add3A_30 = arith.addf %add3A_28, %slice3A_29 : vector<64x512xf32>
    %slice3A_31 = vector.extract_strided_slice %get3A_3 {offsets = [0, 5120], sizes = [64, 512], strides = [1, 1]} : vector<64x8192xf32> to vector<64x512xf32>
    %add3A_32 = arith.addf %add3A_30, %slice3A_31 : vector<64x512xf32>
    %slice3A_33 = vector.extract_strided_slice %get3A_3 {offsets = [0, 5632], sizes = [64, 512], strides = [1, 1]} : vector<64x8192xf32> to vector<64x512xf32>
    %add3A_34 = arith.addf %add3A_32, %slice3A_33 : vector<64x512xf32>
    %slice3A_35 = vector.extract_strided_slice %get3A_3 {offsets = [0, 6144], sizes = [64, 512], strides = [1, 1]} : vector<64x8192xf32> to vector<64x512xf32>
    %add3A_36 = arith.addf %add3A_34, %slice3A_35 : vector<64x512xf32>
    %slice3A_37 = vector.extract_strided_slice %get3A_3 {offsets = [0, 6656], sizes = [64, 512], strides = [1, 1]} : vector<64x8192xf32> to vector<64x512xf32>
    %add3A_38 = arith.addf %add3A_36, %slice3A_37 : vector<64x512xf32>
    %slice3A_39 = vector.extract_strided_slice %get3A_3 {offsets = [0, 7168], sizes = [64, 512], strides = [1, 1]} : vector<64x8192xf32> to vector<64x512xf32>
    %add3A_40 = arith.addf %add3A_38, %slice3A_39 : vector<64x512xf32>
    %slice3A_41 = vector.extract_strided_slice %get3A_3 {offsets = [0, 7680], sizes = [64, 512], strides = [1, 1]} : vector<64x8192xf32> to vector<64x512xf32>
    %add3A_42 = arith.addf %add3A_40, %slice3A_41 : vector<64x512xf32>
    %mul3A = arith.constant 6.250000e-02 : f32
    %mul3A_43 = vector.broadcast %mul3A : f32 to vector<64x512xf32>
    %mul3A_44 = arith.mulf %add3A_42, %mul3A_43 : vector<64x512xf32>
    %slice3A_45 = vector.extract_strided_slice %get3A_8 {offsets = [0, 0], sizes = [64, 512], strides = [1, 1]} : vector<64x8192xf32> to vector<64x512xf32>
    %slice3A_46 = vector.extract_strided_slice %get3A_8 {offsets = [0, 512], sizes = [64, 512], strides = [1, 1]} : vector<64x8192xf32> to vector<64x512xf32>
    %add3A_47 = arith.addf %slice3A_45, %slice3A_46 : vector<64x512xf32>
    %slice3A_48 = vector.extract_strided_slice %get3A_8 {offsets = [0, 1024], sizes = [64, 512], strides = [1, 1]} : vector<64x8192xf32> to vector<64x512xf32>
    %add3A_49 = arith.addf %add3A_47, %slice3A_48 : vector<64x512xf32>
    %slice3A_50 = vector.extract_strided_slice %get3A_8 {offsets = [0, 1536], sizes = [64, 512], strides = [1, 1]} : vector<64x8192xf32> to vector<64x512xf32>
    %add3A_51 = arith.addf %add3A_49, %slice3A_50 : vector<64x512xf32>
    %slice3A_52 = vector.extract_strided_slice %get3A_8 {offsets = [0, 2048], sizes = [64, 512], strides = [1, 1]} : vector<64x8192xf32> to vector<64x512xf32>
    %add3A_53 = arith.addf %add3A_51, %slice3A_52 : vector<64x512xf32>
    %slice3A_54 = vector.extract_strided_slice %get3A_8 {offsets = [0, 2560], sizes = [64, 512], strides = [1, 1]} : vector<64x8192xf32> to vector<64x512xf32>
    %add3A_55 = arith.addf %add3A_53, %slice3A_54 : vector<64x512xf32>
    %slice3A_56 = vector.extract_strided_slice %get3A_8 {offsets = [0, 3072], sizes = [64, 512], strides = [1, 1]} : vector<64x8192xf32> to vector<64x512xf32>
    %add3A_57 = arith.addf %add3A_55, %slice3A_56 : vector<64x512xf32>
    %slice3A_58 = vector.extract_strided_slice %get3A_8 {offsets = [0, 3584], sizes = [64, 512], strides = [1, 1]} : vector<64x8192xf32> to vector<64x512xf32>
    %add3A_59 = arith.addf %add3A_57, %slice3A_58 : vector<64x512xf32>
    %slice3A_60 = vector.extract_strided_slice %get3A_8 {offsets = [0, 4096], sizes = [64, 512], strides = [1, 1]} : vector<64x8192xf32> to vector<64x512xf32>
    %add3A_61 = arith.addf %add3A_59, %slice3A_60 : vector<64x512xf32>
    %slice3A_62 = vector.extract_strided_slice %get3A_8 {offsets = [0, 4608], sizes = [64, 512], strides = [1, 1]} : vector<64x8192xf32> to vector<64x512xf32>
    %add3A_63 = arith.addf %add3A_61, %slice3A_62 : vector<64x512xf32>
    %slice3A_64 = vector.extract_strided_slice %get3A_8 {offsets = [0, 5120], sizes = [64, 512], strides = [1, 1]} : vector<64x8192xf32> to vector<64x512xf32>
    %add3A_65 = arith.addf %add3A_63, %slice3A_64 : vector<64x512xf32>
    %slice3A_66 = vector.extract_strided_slice %get3A_8 {offsets = [0, 5632], sizes = [64, 512], strides = [1, 1]} : vector<64x8192xf32> to vector<64x512xf32>
    %add3A_67 = arith.addf %add3A_65, %slice3A_66 : vector<64x512xf32>
    %slice3A_68 = vector.extract_strided_slice %get3A_8 {offsets = [0, 6144], sizes = [64, 512], strides = [1, 1]} : vector<64x8192xf32> to vector<64x512xf32>
    %add3A_69 = arith.addf %add3A_67, %slice3A_68 : vector<64x512xf32>
    %slice3A_70 = vector.extract_strided_slice %get3A_8 {offsets = [0, 6656], sizes = [64, 512], strides = [1, 1]} : vector<64x8192xf32> to vector<64x512xf32>
    %add3A_71 = arith.addf %add3A_69, %slice3A_70 : vector<64x512xf32>
    %slice3A_72 = vector.extract_strided_slice %get3A_8 {offsets = [0, 7168], sizes = [64, 512], strides = [1, 1]} : vector<64x8192xf32> to vector<64x512xf32>
    %add3A_73 = arith.addf %add3A_71, %slice3A_72 : vector<64x512xf32>
    %slice3A_74 = vector.extract_strided_slice %get3A_8 {offsets = [0, 7680], sizes = [64, 512], strides = [1, 1]} : vector<64x8192xf32> to vector<64x512xf32>
    %add3A_75 = arith.addf %add3A_73, %slice3A_74 : vector<64x512xf32>
    %mul3A_76 = arith.constant 6.250000e-02 : f32
    %mul3A_77 = vector.broadcast %mul3A_76 : f32 to vector<64x512xf32>
    %mul3A_78 = arith.mulf %add3A_75, %mul3A_77 : vector<64x512xf32>
    %slice3A_79 = vector.extract_strided_slice %get3A_13 {offsets = [0, 0], sizes = [64, 512], strides = [1, 1]} : vector<64x8192xf32> to vector<64x512xf32>
    %slice3A_80 = vector.extract_strided_slice %get3A_13 {offsets = [0, 512], sizes = [64, 512], strides = [1, 1]} : vector<64x8192xf32> to vector<64x512xf32>
    %add3A_81 = arith.addf %slice3A_79, %slice3A_80 : vector<64x512xf32>
    %slice3A_82 = vector.extract_strided_slice %get3A_13 {offsets = [0, 1024], sizes = [64, 512], strides = [1, 1]} : vector<64x8192xf32> to vector<64x512xf32>
    %add3A_83 = arith.addf %add3A_81, %slice3A_82 : vector<64x512xf32>
    %slice3A_84 = vector.extract_strided_slice %get3A_13 {offsets = [0, 1536], sizes = [64, 512], strides = [1, 1]} : vector<64x8192xf32> to vector<64x512xf32>
    %add3A_85 = arith.addf %add3A_83, %slice3A_84 : vector<64x512xf32>
    %slice3A_86 = vector.extract_strided_slice %get3A_13 {offsets = [0, 2048], sizes = [64, 512], strides = [1, 1]} : vector<64x8192xf32> to vector<64x512xf32>
    %add3A_87 = arith.addf %add3A_85, %slice3A_86 : vector<64x512xf32>
    %slice3A_88 = vector.extract_strided_slice %get3A_13 {offsets = [0, 2560], sizes = [64, 512], strides = [1, 1]} : vector<64x8192xf32> to vector<64x512xf32>
    %add3A_89 = arith.addf %add3A_87, %slice3A_88 : vector<64x512xf32>
    %slice3A_90 = vector.extract_strided_slice %get3A_13 {offsets = [0, 3072], sizes = [64, 512], strides = [1, 1]} : vector<64x8192xf32> to vector<64x512xf32>
    %add3A_91 = arith.addf %add3A_89, %slice3A_90 : vector<64x512xf32>
    %slice3A_92 = vector.extract_strided_slice %get3A_13 {offsets = [0, 3584], sizes = [64, 512], strides = [1, 1]} : vector<64x8192xf32> to vector<64x512xf32>
    %add3A_93 = arith.addf %add3A_91, %slice3A_92 : vector<64x512xf32>
    %slice3A_94 = vector.extract_strided_slice %get3A_13 {offsets = [0, 4096], sizes = [64, 512], strides = [1, 1]} : vector<64x8192xf32> to vector<64x512xf32>
    %add3A_95 = arith.addf %add3A_93, %slice3A_94 : vector<64x512xf32>
    %slice3A_96 = vector.extract_strided_slice %get3A_13 {offsets = [0, 4608], sizes = [64, 512], strides = [1, 1]} : vector<64x8192xf32> to vector<64x512xf32>
    %add3A_97 = arith.addf %add3A_95, %slice3A_96 : vector<64x512xf32>
    %slice3A_98 = vector.extract_strided_slice %get3A_13 {offsets = [0, 5120], sizes = [64, 512], strides = [1, 1]} : vector<64x8192xf32> to vector<64x512xf32>
    %add3A_99 = arith.addf %add3A_97, %slice3A_98 : vector<64x512xf32>
    %slice3A_100 = vector.extract_strided_slice %get3A_13 {offsets = [0, 5632], sizes = [64, 512], strides = [1, 1]} : vector<64x8192xf32> to vector<64x512xf32>
    %add3A_101 = arith.addf %add3A_99, %slice3A_100 : vector<64x512xf32>
    %slice3A_102 = vector.extract_strided_slice %get3A_13 {offsets = [0, 6144], sizes = [64, 512], strides = [1, 1]} : vector<64x8192xf32> to vector<64x512xf32>
    %add3A_103 = arith.addf %add3A_101, %slice3A_102 : vector<64x512xf32>
    %slice3A_104 = vector.extract_strided_slice %get3A_13 {offsets = [0, 6656], sizes = [64, 512], strides = [1, 1]} : vector<64x8192xf32> to vector<64x512xf32>
    %add3A_105 = arith.addf %add3A_103, %slice3A_104 : vector<64x512xf32>
    %slice3A_106 = vector.extract_strided_slice %get3A_13 {offsets = [0, 7168], sizes = [64, 512], strides = [1, 1]} : vector<64x8192xf32> to vector<64x512xf32>
    %add3A_107 = arith.addf %add3A_105, %slice3A_106 : vector<64x512xf32>
    %slice3A_108 = vector.extract_strided_slice %get3A_13 {offsets = [0, 7680], sizes = [64, 512], strides = [1, 1]} : vector<64x8192xf32> to vector<64x512xf32>
    %add3A_109 = arith.addf %add3A_107, %slice3A_108 : vector<64x512xf32>
    %mul3A_110 = arith.constant 6.250000e-02 : f32
    %mul3A_111 = vector.broadcast %mul3A_110 : f32 to vector<64x512xf32>
    %mul3A_112 = arith.mulf %add3A_109, %mul3A_111 : vector<64x512xf32>
    %dot_general3A = arith.constant dense<0.000000e+00> : vector<512x512xf32>
    %dot_general3A_113 = tpu.matmul %mul3A_78, %mul3A_44, %dot_general3A {dimension_numbers = #tpu.dot_dimension_numbers<[0], [0], [1], [1], [0, 1, 1, 1], [], []>, transpose_lhs_hint = false} : vector<64x512xf32>, vector<64x512xf32>, vector<512x512xf32> -> vector<512x512xf32>
    %mul3A_114 = arith.constant 1.250000e-01 : f32
    %mul3A_115 = vector.broadcast %mul3A_114 : f32 to vector<512x512xf32>
    %mul3A_116 = arith.mulf %dot_general3A_113, %mul3A_115 : vector<512x512xf32>
    %reduce_max3A = arith.constant dense<0xFF800000> : vector<512xf32>
    %reduce_max3A_117 = vector.multi_reduction <maximumf>, %mul3A_116, %reduce_max3A [0] : vector<512x512xf32> to vector<512xf32>
    %broadcast_in_dim3A = vector.shape_cast %reduce_max3A_117 : vector<512xf32> to vector<1x512xf32>
    %sub3A = vector.broadcast %broadcast_in_dim3A : vector<1x512xf32> to vector<512x512xf32>
    %sub3A_118 = arith.subf %mul3A_116, %sub3A : vector<512x512xf32>
    %exp3A = math.exp %sub3A_118 : vector<512x512xf32>
    %reduce_sum3A = arith.constant dense<0.000000e+00> : vector<512xf32>
    %reduce_sum3A_119 = vector.multi_reduction <add>, %exp3A, %reduce_sum3A [0] : vector<512x512xf32> to vector<512xf32>
    %broadcast_in_dim3A_120 = vector.shape_cast %reduce_sum3A_119 : vector<512xf32> to vector<1x512xf32>
    %div3A = vector.broadcast %broadcast_in_dim3A_120 : vector<1x512xf32> to vector<512x512xf32>
    %div3A_121 = arith.divf %exp3A, %div3A : vector<512x512xf32>
    %dot_general3A_122 = arith.constant dense<0.000000e+00> : vector<64x512xf32>
    %dot_general3A_123 = tpu.matmul %mul3A_112, %div3A_121, %dot_general3A_122 {dimension_numbers = #tpu.dot_dimension_numbers<[1], [0], [0], [1], [0, 0, 1, 1], [], []>, transpose_lhs_hint = false} : vector<64x512xf32>, vector<512x512xf32>, vector<64x512xf32> -> vector<64x512xf32>
    %slice3A_124 = vector.extract_strided_slice %dot_general3A_123 {offsets = [0, 0], sizes = [64, 128], strides = [1, 1]} : vector<64x512xf32> to vector<64x128xf32>
    %reshape3A = vector.shape_cast %slice3A_124 : vector<64x128xf32> to vector<8x8x128xf32>
    %swap3A = arith.constant 0 : index
    %swap3A_125 = arith.constant 0 : index
    %swap3A_126 = arith.constant 0 : index
    %swap3A_127 = arith.constant 0 : index
    %swap3A_128 = arith.constant 0 : index
    %swap3A_129 = vector.load %arg4[%swap3A, %swap3A_125, %swap3A_126, %swap3A_127, %swap3A_128] : memref<1x8x4x8x128xf32, #tpu.memory_space<vmem>>, vector<1x8x1x8x128xf32>
    %swap3A_130 = vector.shape_cast %swap3A_129 : vector<1x8x1x8x128xf32> to vector<8x8x128xf32>
    %swap3A_131 = vector.shape_cast %reshape3A : vector<8x8x128xf32> to vector<1x8x1x8x128xf32>
    tpu.vector_store %arg4[%swap3A, %swap3A_125, %swap3A_126, %swap3A_127, %swap3A_128], %swap3A_131 {strides = array<i32>} : memref<1x8x4x8x128xf32, #tpu.memory_space<vmem>>, vector<1x8x1x8x128xf32>,
    %slice3A_132 = vector.extract_strided_slice %dot_general3A_123 {offsets = [0, 128], sizes = [64, 128], strides = [1, 1]} : vector<64x512xf32> to vector<64x128xf32>
    %reshape3A_133 = vector.shape_cast %slice3A_132 : vector<64x128xf32> to vector<8x8x128xf32>
    %swap3A_134 = arith.constant 0 : index
    %swap3A_135 = arith.constant 0 : index
    %swap3A_136 = arith.constant 1 : index
    %swap3A_137 = arith.constant 0 : index
    %swap3A_138 = arith.constant 0 : index
    %swap3A_139 = vector.load %arg4[%swap3A_134, %swap3A_135, %swap3A_136, %swap3A_137, %swap3A_138] : memref<1x8x4x8x128xf32, #tpu.memory_space<vmem>>, vector<1x8x1x8x128xf32>
    %swap3A_140 = vector.shape_cast %swap3A_139 : vector<1x8x1x8x128xf32> to vector<8x8x128xf32>
    %swap3A_141 = vector.shape_cast %reshape3A_133 : vector<8x8x128xf32> to vector<1x8x1x8x128xf32>
    tpu.vector_store %arg4[%swap3A_134, %swap3A_135, %swap3A_136, %swap3A_137, %swap3A_138], %swap3A_141 {strides = array<i32>} : memref<1x8x4x8x128xf32, #tpu.memory_space<vmem>>, vector<1x8x1x8x128xf32>,
    %slice3A_142 = vector.extract_strided_slice %dot_general3A_123 {offsets = [0, 256], sizes = [64, 128], strides = [1, 1]} : vector<64x512xf32> to vector<64x128xf32>
    %reshape3A_143 = vector.shape_cast %slice3A_142 : vector<64x128xf32> to vector<8x8x128xf32>
    %swap3A_144 = arith.constant 0 : index
    %swap3A_145 = arith.constant 0 : index
    %swap3A_146 = arith.constant 2 : index
    %swap3A_147 = arith.constant 0 : index
    %swap3A_148 = arith.constant 0 : index
    %swap3A_149 = vector.load %arg4[%swap3A_144, %swap3A_145, %swap3A_146, %swap3A_147, %swap3A_148] : memref<1x8x4x8x128xf32, #tpu.memory_space<vmem>>, vector<1x8x1x8x128xf32>
    %swap3A_150 = vector.shape_cast %swap3A_149 : vector<1x8x1x8x128xf32> to vector<8x8x128xf32>
    %swap3A_151 = vector.shape_cast %reshape3A_143 : vector<8x8x128xf32> to vector<1x8x1x8x128xf32>
    tpu.vector_store %arg4[%swap3A_144, %swap3A_145, %swap3A_146, %swap3A_147, %swap3A_148], %swap3A_151 {strides = array<i32>} : memref<1x8x4x8x128xf32, #tpu.memory_space<vmem>>, vector<1x8x1x8x128xf32>,
    %slice3A_152 = vector.extract_strided_slice %dot_general3A_123 {offsets = [0, 384], sizes = [64, 128], strides = [1, 1]} : vector<64x512xf32> to vector<64x128xf32>
    %reshape3A_153 = vector.shape_cast %slice3A_152 : vector<64x128xf32> to vector<8x8x128xf32>
    %swap3A_154 = arith.constant 0 : index
    %swap3A_155 = arith.constant 0 : index
    %swap3A_156 = arith.constant 3 : index
    %swap3A_157 = arith.constant 0 : index
    %swap3A_158 = arith.constant 0 : index
    %swap3A_159 = vector.load %arg4[%swap3A_154, %swap3A_155, %swap3A_156, %swap3A_157, %swap3A_158] : memref<1x8x4x8x128xf32, #tpu.memory_space<vmem>>, vector<1x8x1x8x128xf32>
    %swap3A_160 = vector.shape_cast %swap3A_159 : vector<1x8x1x8x128xf32> to vector<8x8x128xf32>
    %swap3A_161 = vector.shape_cast %reshape3A_153 : vector<8x8x128xf32> to vector<1x8x1x8x128xf32>
    tpu.vector_store %arg4[%swap3A_154, %swap3A_155, %swap3A_156, %swap3A_157, %swap3A_158], %swap3A_161 {strides = array<i32>} : memref<1x8x4x8x128xf32, #tpu.memory_space<vmem>>, vector<1x8x1x8x128xf32>,
    return
  }
  func.func @transform_0(%arg0: i32) -> (i32, i32, i32) {
    %c0_i32 = arith.constant 0 : i32
    %c0_i32_0 = arith.constant 0 : i32
    %c0_i32_1 = arith.constant 0 : i32
    return %arg0, %c0_i32, %c0_i32_0 : i32, i32, i32
  }
  func.func @transform_1(%arg0: i32) -> (i32, i32, i32) {
    %c0_i32 = arith.constant 0 : i32
    %c0_i32_0 = arith.constant 0 : i32
    %c0_i32_1 = arith.constant 0 : i32
    return %arg0, %c0_i32, %c0_i32_0 : i32, i32, i32
  }
  func.func @transform_2(%arg0: i32) -> (i32, i32, i32) {
    %c0_i32 = arith.constant 0 : i32
    %c0_i32_0 = arith.constant 0 : i32
    %c0_i32_1 = arith.constant 0 : i32
    return %arg0, %c0_i32, %c0_i32_0 : i32, i32, i32
  }
  func.func @transform_3(%arg0: i32) -> (i32, i32, i32, i32, i32) {
    %c0_i32 = arith.constant 0 : i32
    %c0_i32_0 = arith.constant 0 : i32
    %c0_i32_1 = arith.constant 0 : i32
    %c0_i32_2 = arith.constant 0 : i32
    %c0_i32_3 = arith.constant 0 : i32
    return %arg0, %c0_i32, %c0_i32_0, %c0_i32_1, %c0_i32_2 : i32, i32, i32, i32, i32
  }
}

</mosaic_0001>

<sc_bundles>
// kernel: kernel.4.cloned.1.call-start
scs
__scs_entry_jumppad:
0x0: {  	(pc) =	sbr.rel $0x88, $3  }
0x1: {  	(tag) =	ssettag $0x0;
	lr =	simm.s32 $0x1  }
0x2: {  	[smem:$0x3F9E] =	sst lr;
	_ =	strace $0xD0000000  }
0x3: {  	_ = 	snop  }
0x4: {  	_ = 	snop  }
0x5: {  	_ = 	snop  }
0x6: {  	_ = 	snop  }
0x7: {  	_ = 	snop  }
__scs_overlays_trampoline_lowered:
0x8: {  	[smem:$0x3FAD] =	sst s0  }
0x9: {  	[smem:$0x3FAE] =	sst s1  }
0xa: {  	[smem:$0x3FAF] =	sst s2  }
0xb: {  	[smem:$0x3FB0] =	sst s3  }
0xc: {  	[smem:$0x3FB1] =	sst s4  }
0xd: {  	[smem:$0x3FB2] =	sst s5  }
0xe: {  	[smem:$0x3FB3] =	sst s6  }
0xf: {  	[smem:$0x3FB4] =	sst s7  }
0x10: {  	[smem:$0x3FB5] =	sst s8  }
0x11: {  	[smem:$0x3FB6] =	sst s9;
	s0 =	simm.s32 @!p0 $0x0  }
0x12: {  	s1 =	sld [smem:$0x3F9C];
	s0 =	simm.s32 @p0 $0x1  }
0x13: {  	[smem:$0x3FB7] =	sst s0;
	s0 =	simm.s32 @!p1 $0x0  }
0x14: {  	s2 =	sld [smem:$0x3F9B];
	s0 =	simm.s32 @p1 $0x1  }
0x15: {  	[smem:$0x3FB8] =	sst s0;
	s0 =	simm.s32 @!p2 $0x0  }
0x16: {  	s3 =	sld [smem:$0x3FDB];
	s0 =	simm.s32 @p2 $0x1  }
0x17: {  	s4 =	simm.s32 $0x1BF5;
	[smem:$0x3FBA] =	sst s0  }
0x18: {  	s0 =	sld [smem:$0x3F9D];
	_ =	swait.ge [sflag:s4], $0x0  }
0x19: {  	s7 =	sld [smem:$0x3F9E]  }
0x1a: {  	s8 =	sadd.s32 $0xFFFFE003, lr  }
0x1b: {  	s9 =	sadd.s32 $0xFFFFFEF7, lr;
	s5 =	simm.s32 $0xFFFFFFFF;
	p2 =	slt.u32 s8, $0xFFFFF086  }
0x1c: {  	p1 =	slt.u32 s9, $0xF7A;
	s5 =	simm.s32 @!p2 $0x0  }
0x1d: {  	s5 =	simm.s32 @p1 $0x1;
	p0 =	seq.s32 s7, s2  }
0x1e: {  	s7 =	smul.u32 @!p0 $0xF7A, s2;
	p2 =	seq.s32 @!p0 s5, $0x0  }
0x1f: {  	s9 =	smul.u32 $0xF7A, s1;
	s8 =	simm.s32 @!p0 $0x1BF5;
	p2 =	por !p2, p0  }
0x20: {  	[sflag:s8] =	ssyncset.s32 @!p0 $0xFFFFF086;
	s6 =	sadd.s32 @!p0 s3, s7;
	s7 =	simm.s32 @!p0 $0x108  }
0x21: {  	s3 =	sadd.s32 s3, s9;
	s6 =	sadd.s32 @!p0 $0x88, s6;
	s7 =	simm.s32 @p2 $0x1082  }
0x22: {  	[simem:s7], [sflag:s8] =	dma.local @!p0 [hbm:s6], $0xF7A  }
0x23: {  	s9 =	sor.u32 $0xD0000000, s2;
	s6 =	simm.s32 $0x108;
	_ =	swait.ge @!p0 [sflag:s8], $0x0  }
0x24: {  	s3 =	sadd.s32 $0x88, s3;
	s6 =	simm.s32 @!p1 $0x1082;
	[sflag:s4] =	ssyncset.s32 $0xFFFFF086  }
0x25: {  	[simem:s6], [sflag:s4] =	dma.local [hbm:s3], $0xF7A  }
0x26: {  	[smem:$0x3F9E] =	sst s1;
	(tag) =	ssettag s2;
	_ =	strace s9  }
0x27: {  	s1 =	sld [smem:$0x3FAE]  }
0x28: {  	s2 =	sld [smem:$0x3FAF]  }
0x29: {  	s4 =	sld [smem:$0x3FB1]  }
0x2a: {  	p0 =	seq.s32 s5, $0x0;
	s5 =	sld [smem:$0x3FB2]  }
0x2b: {  	s6 =	sld [smem:$0x3FB3]  }
0x2c: {  	s7 =	sld [smem:$0x3FB4]  }
0x2d: {  	s3 =	simm.s32 $0x108;
	s8 =	sld [smem:$0x3FB5]  }
0x2e: {  	s3 =	simm.s32 @!p0 $0x1082;
	s9 =	sld [smem:$0x3FB6]  }
0x2f: {  	lr =	sadd.s32 s0, s3;
	s0 =	sld [smem:$0x3FAD]  }
0x30: {  	s3 =	sld [smem:$0x3FB0]  }
0x31: {  	[smem:$0x3FB9] =	sst s10  }
0x32: {  	s10 =	sld [smem:$0x3FB7];
	_ =	sdelay $0x3  }
0x33: {  	p0 =	seq.s32 s10, $0x1;
	s10 =	sld [smem:$0x3FB9];
	_ =	sdelay $0x3  }
0x34: {  	[smem:$0x3FB9] =	sst s10  }
0x35: {  	s10 =	sld [smem:$0x3FB8];
	_ =	sdelay $0x3  }
0x36: {  	p1 =	seq.s32 s10, $0x1;
	s10 =	sld [smem:$0x3FB9];
	_ =	sdelay $0x3  }
0x37: {  	[smem:$0x3FB9] =	sst s10  }
0x38: {  	s10 =	sld [smem:$0x3FBA]  }
0x39: {  	_ = 	snop;
	(pc) =	sbr.ind lr, $3  }
0x3a: {  	_ = 	snop  }
0x3b: {  	_ = 	snop  }
0x3c: {  	p2 =	seq.s32 s10, $0x1;
	s10 =	sld [smem:$0x3FB9]  }
0x3d: {  	_ =	shalt  }
0x3e: {  	_ =	shalt  }
0x3f: {  	_ =	shalt  }
0x40: {  	_ =	shalt  }
0x41: {  	_ =	shalt  }
0x42: {  	_ =	shalt  }
0x43: {  	_ =	shalt  }
0x44: {  	_ =	shalt  }
0x45: {  	_ =	shalt  }
0x46: {  	_ =	shalt  }
0x47: {  	_ =	shalt  }
0x48: {  	_ =	shalt  }
0x49: {  	_ =	shalt  }
0x4a: {  	_ =	shalt  }
0x4b: {  	_ =	shalt  }
0x4c: {  	_ =	shalt  }
0x4d: {  	_ =	shalt  }
0x4e: {  	_ =	shalt  }
0x4f: {  	_ =	shalt  }
0x50: {  	_ =	shalt  }
0x51: {  	_ =	shalt  }
0x52: {  	_ =	shalt  }
0x53: {  	_ =	shalt  }
0x54: {  	_ =	shalt  }
0x55: {  	_ =	shalt  }
0x56: {  	_ =	shalt  }
0x57: {  	_ =	shalt  }
0x58: {  	_ =	shalt  }
0x59: {  	_ =	shalt  }
0x5a: {  	_ =	shalt  }
0x5b: {  	_ =	shalt  }
0x5c: {  	_ =	shalt  }
0x5d: {  	_ =	shalt  }
0x5e: {  	_ =	shalt  }
0x5f: {  	_ =	shalt  }
0x60: {  	_ =	shalt  }
0x61: {  	_ =	shalt  }
0x62: {  	_ =	shalt  }
0x63: {  	_ =	shalt  }
0x64: {  	_ =	shalt  }
0x65: {  	_ =	shalt  }
0x66: {  	_ =	shalt  }
0x67: {  	_ =	shalt  }
0x68: {  	_ =	shalt  }
0x69: {  	_ =	shalt  }
0x6a: {  	_ =	shalt  }
0x6b: {  	_ =	shalt  }
0x6c: {  	_ =	shalt  }
0x6d: {  	_ =	shalt  }
0x6e: {  	_ =	shalt  }
0x6f: {  	_ =	shalt  }
0x70: {  	_ =	shalt  }
0x71: {  	_ =	shalt  }
0x72: {  	_ =	shalt  }
0x73: {  	_ =	shalt  }
0x74: {  	_ =	shalt  }
0x75: {  	_ =	shalt  }
0x76: {  	_ =	shalt  }
0x77: {  	_ =	shalt  }
0x78: {  	_ =	shalt  }
0x79: {  	_ =	shalt  }
0x7a: {  	_ =	shalt  }
0x7b: {  	_ =	shalt  }
0x7c: {  	_ =	shalt  }
0x7d: {  	_ =	shalt  }
0x7e: {  	_ =	shalt  }
0x7f: {  	_ =	shalt  }
0x80: {  	_ =	shalt  }
0x81: {  	_ =	shalt  }
0x82: {  	_ =	shalt  }
0x83: {  	_ =	shalt  }
0x84: {  	_ =	shalt  }
0x85: {  	_ =	shalt  }
0x86: {  	_ =	shalt  }
0x87: {  	_ =	shalt  }
.Lfunc_end0:
.L_simem_size_0:
called_computation_lowered:
.L_overlay_start_0:
0x88: {  	s2 =	sld [smem:$0x3FD9]  }
0x89: {  	s3 =	sld [smem:$0x3FFE];
	_ =	sdelay $0x1  }
0x8a: {  	s1 =	srdreg.scid  }
0x8b: {  	s0 =	sand.u32 $0x1, s1  }
0x8c: {  	s17 =	sshll.u32 s0, $0xA;
	s2 =	sadd.s32 s3, s2  }
0x8d: {  	s2 =	sadd.s32 s2, s17  }
0x8e: {  	[smem:$0x3FC5] =	sst s2  }
0x8f: {  	_ = 	snop  }
0x90: {  	s2 =	sld [smem:$0x3FD0];
	(tm) =	ssettm $0x1  }
0x91: {  	s18 =	sld [smem:$0x3FFB];
	_ =	sdelay $0x3  }
0x92: {  	_ =	strace s18  }
0x93: {  	s3 =	sld [smem:$0x3FFC];
	_ =	sdelay $0x3  }
0x94: {  	_ =	strace s3  }
0x95: {  	s3 =	sld [smem:$0x3FFD];
	_ =	sdelay $0x3  }
0x96: {  	_ =	strace s3  }
0x97: {  	_ =	strace $0x8FFFFFFF  }
0x98: {  	s19 =	sld [smem:$0x3FDB];
	_ =	sdelay $0x1  }
0x99: {  	s4 =	simm.s32 $_scs_section_size  }
0x9a: {  	s5 =	simm.s32 $_size__tile_overlayer_lowered;
	s6 =	simm.s32 $_tile_overlayer_lowered  }
0x9b: {  	s22 =	simm.s32 $0x1BFF;
	s21 =	sshll.u32 s6, $0x1;
	s3 =	sadd.s32 s4, s19  }
0x9c: {  	s7 =	simm.s32 $0x0;
	s20 =	sshll.u32 s5, $0x1;
	s5 =	sadd.s32 s21, s3  }
0x9d: {  	[timem:s7], [sflag:s22] =	dma.local [hbm:s5], s20  }
0x9e: {  	_ =	swait.ge [sflag:s22], s20  }
0x9f: {  	s4 =	ssub.s32 $0x0, s20;
	[sflag:s22] =	ssyncset.done $0x0  }
0xa0: {  	[sflag:s22] =	ssyncadd.s32 s4;
	_ =	sdelay $0x1  }
0xa1: {  	s23 =	simm.s32 $0x1B8B  }
0xa2: {  	_ =	swait.ge [sflag:s23], $0x1  }
0xa3: {  	[sflag:s23] =	ssyncset.done $0x0  }
0xa4: {  	s25 =	simm.s32 $0x1B8E;
	s24 =	sld [smem:$0x3FFE];
	[sflag:s23] =	ssyncadd.s32 $0xFFFFFFFF  }
0xa5: {  	s26 =	simm.s32 $execute0_lowered;
	[smem:$0x3FD2] =	sst s25  }
0xa6: {  	s5 =	sshll.u32 s26, $0x1;
	_ =	strace $0x80000046;
	[dreg:$0x1] =	wrdreg $0xFFFFFFFF  }
0xa7: {  	s28 =	simm.s32 $_size_execute0_lowered;
	s3 =	sadd.s32 s3, s5;
	[dreg:$0x0] =	wrdreg $0x0  }
0xa8: {  	s5 =	sshll.u32 s28, $0x1;
	[dreg:$0x2] =	wrdreg s3  }
0xa9: {  	[dreg:$0x3] =	wrdreg s5  }
0xaa: {  	[dreg:$0x4] =	wrdreg $0xC0  }
0xab: {  	_ =	task [dreg:s7], $0x5FFFF  }
0xac: {  	[dreg:$0x1] =	wrdreg $0xFFFFFFFF  }
0xad: {  	[dreg:$0x0] =	wrdreg $0x60  }
0xae: {  	[dreg:$0x2] =	wrdreg s24  }
0xaf: {  	[dreg:$0x3] =	wrdreg s2  }
0xb0: {  	[dreg:$0x4] =	wrdreg $0x9  }
0xb1: {  	_ =	task.clear_ibuf [dreg:s7], $0x5FFFF;
	_ =	strace $0x90000046  }
0xb2: {  	s29 =	simm.s32 $0x9;
	_ =	strace $0x80000048  }
0xb3: {  	_ =	swait.ge [sflag:s29], $0x1  }
0xb4: {  	[sflag:s29] =	ssyncadd.s32 $0xFFFFFFFF  }
0xb5: {  	_ =	strace $0x90000048  }
0xb6: {  	_ =	sfence  }
0xb7: {  	s30 =	sld [smem:$0x0];
	_ =	sdelay $0x2  }
0xb8: {  	s31 =	sshll.u32 s1, $0xD;
	s1 =	sshrl.u32 s1, $0x2  }
0xb9: {  	s3 =	sand.u32 $0x4000, s31;
	s1 =	sadd.s32 s1, s30  }
0xba: {  	s0 =	sor.u32 s3, s0;
	s1 =	sshll.u32 s1, $0x11  }
0xbb: {  	s0 =	sor.u32 s1, s0  }
0xbc: {  	s0 =	sadd.s32 $0x8F2B, s0  }
0xbd: {  	[sflag:s0] =	ssyncadd.remote.s32 $0x1  }
0xbe: {  	_ =	sfence.sel $0xFFFF  }
0xbf: {  	[dreg:$0x0] =	wrdreg $0xFFFFFFFF;
	(pc) =	sbr.abs _section_cstart, $3  }
0xc0: {  	[dreg:$0x1] =	wrdreg $0xFFFFFFFF  }
0xc1: {  	_ =	task.clear_ibuf [dreg:s7], $0x2FFFF;
	_ =	strace $0x9FFFFFFF  }
0xc2: {  	(tm) =	ssettm $0x7FFFFFFF  }
0xc3: {  	_ =	shalt  }
tec
execute0_lowered:
.L_overlay_start_1:
0x0: {  	(tag) =	ssettag $0x1  }
0x1: {  	s3 =	rddreg [dreg:$0x0]  }
0x2: {  	s5 =	rddreg [dreg:$0x1];
	s2 =	srdreg.scid  }
0x3: {  	s0 =	rddreg [dreg:$0x2];
	s1 =	stileid.u32;
	s6 =	sand.u32 $0x1, s2  }
0x4: {  	s2 =	simm.s32 $0x0;
	s4 =	sshll.u32 s1, $0xD;
	s31 =	sshll.u32 s1, $0x11  }
0x5: {  	s7 =	sshll.u32 s6, $0xC;
	[smem:$0x7FF] =	sst s2;
	s29 =	ssub.s32 $0x2, s6  }
0x6: {  	s5 =	sadd.s32 s31, s5;
	s6 =	sshll.u32 s6, $0x10;
	s4 =	sor.u32 s7, s4  }
0x7: {  	_ =	strace $0x80000047;
	s30 =	sshrl.u32 s29, $0x1;
	s5 =	sadd.s32 s6, s5  }
0x8: {  	s6 =	simm.s32 $0x1;
	s3 =	sadd.s32 s4, s3;
	s4 =	ssub.s32 s29, s30  }
0x9: {  	s7 =	simm.s32 $0x0;
	s3 =	sadd.s32 $0x600, s3;
	s4 =	smax.u32 s4, $0x1  }
.LBB2_1:
0xa: {  	[tilespmem:s2], [sflag:$0x1] =	stream.linear.gather [hbm4b:s3+s2], $0x8000, $0x38;
	[tilespmem:$0x8000] =	vst v63  }
0xb: {  	_ =	swait.ge [sflag:s6], $0x8000  }
0xc: {  	s8 =	sand.u32 $0x1C000, s2;
	[sflag:s6] =	ssyncset.done $0x0  }
0xd: {  	s8 =	sshrl.u32 s8, $0x2;
	[sflag:s6] =	ssyncadd.s32 $0xFFFF8000  }
0xe: {  	[hbm4b:s5+s2] =	stream.linear.scatter [tilespmem:s8], [sflag:$0x1], $0x1000, $0x38;
	[tilespmem:$0x8000] =	vst v63  }
0xf: {  	s9 =	smov.u32 s5;
	s8 =	simm.s32 $0x400;
	_ =	swait.ge [sflag:s6], $0x1000  }
.LBB2_2:
0x10: {  	s10 =	sand.u32 $0x1C000, s8  }
0x11: {  	[sflag:s6] =	ssyncset.done $0x0;
	s9 =	sadd.s32 $0x200, s9;
	p0 =	sne.s32 s8, $0x1FC00  }
.Ltmp0:
0x12: {  	s10 =	sshrl.u32 s10, $0x2;
	[sflag:s6] =	ssyncadd.s32 $0xFFFFF000;
	(pc) =	sbr.rel @p0 .LBB2_2-.Ltmp0, $3  }
0x13: {  	[hbm4b:s9+s2] =	stream.linear.scatter [tilespmem:s10], [sflag:$0x1], $0x1000, $0x38;
	[tilespmem:$0x8000] =	vst v63  }
0x14: {  	s8 =	sadd.s32 $0x400, s8;
	_ =	sdelay $0x1  }
0x15: {  	_ =	swait.ge [sflag:s6], $0x1000  }
0x16: {  	s7 =	sadd.s32 $0x1, s7  }
0x17: {  	p0 =	sne.s32 s7, s4  }
.Ltmp1:
0x18: {  	_ = 	snop;
	(pc) =	sbr.rel @p0 .LBB2_1-.Ltmp1, $3  }
0x19: {  	_ =	sdelay $0x1  }
0x1a: {  	[sflag:s6] =	ssyncset.done $0x0  }
0x1b: {  	[sflag:s6] =	ssyncadd.s32 $0xFFFFF000  }
0x1c: {  	_ =	sfence.sel $0x180000  }
0x1d: {  	[bflag:$0x0] =	sbarrier.arrive $0xFFFF  }
0x1e: {  	p0 =	sne.s32 s1, $0x0;
	_ =	strace $0x90000047  }
0x1f: {  	s0 =	sadd.s32 @!p0 $0x100000, s0;
	[bflag:$0x2] =	sbarrier.arrive $0xFFFF  }
0x20: {  	[sflag:s0] =	ssyncadd.tile.s32 @!p0 $0x1;
	_ =	shalt  }
.Lfunc_end2:
_tile_overlayer_lowered:
.L_overlay_start_2:
0x21: {  	(tag) =	ssettag $0x2  }
0x22: {  	s0 =	rddreg [dreg:$0x0];
	s2 =	stileid.u32  }
0x23: {  	s1 =	rddreg [dreg:$0x1];
	p0 =	sne.s32 s2, $0x0  }
0x24: {  	s3 =	rddreg [dreg:$0x2];
	[bflag:$0x3] =	sbarrier.arrive $0xFFFF;
	s2 =	simm.s32 @!p0 $0x1C01  }
0x25: {  	[timem:s3], [sflag:s2] =	dma.local @!p0 [hbm:s0], s1  }
0x26: {  	s0 =	simm.s32 @!p0 $0x1  }
0x27: {  	_ =	swait.ge @!p0 [sflag:s0], s1  }
0x28: {  	s1 =	ssub.s32 @!p0 $0x0, s1;
	[sflag:s0] =	ssyncset.done @!p0 $0x0  }
0x29: {  	[sflag:s0] =	ssyncadd.s32 @!p0 s1  }
0x2a: {  	[bflag:$0x3] =	sbarrier.arrive $0xFFFF  }
0x2b: {  	_ =	shalt  }

</sc_bundles>
